<compile_context>
chip_gen: v7x
topology: tpu7x:2x2x1
jax: 0.10.2.dev20260603
libtpu: 0.0.44.dev20260713+nightly
codegen_flags: <defaults>
</compile_context>

<pallas_src>
import functools

import jax
import jax.numpy as jnp
from jax import lax
from jax.experimental import pallas as pl
from jax.experimental.pallas import tpu as pltpu
from jax.experimental.pallas import tpu_sc as plsc

_V = 1000000
_B = 4096
_L = 200
_EMB = 100
_EMBP = 128
_NC = 2
_NS = 16
_NW = _NC * _NS
_ROWS_PER_W = _B // _NW
_HALF = _L // 2
_NCH = 7
_ACCW = 16 * _NCH


def _tc_pad(table):
    blk = 8000

    def body(t_ref, o_ref):
        t = t_ref[...]
        o_ref[...] = jnp.concatenate(
            [t, jnp.zeros((blk, _EMBP - _EMB), jnp.float32)], axis=1)

    return pl.pallas_call(
        body,
        grid=(_V // blk,),
        in_specs=[pl.BlockSpec((blk, _EMB), lambda i: (i, 0))],
        out_specs=pl.BlockSpec((blk, _EMBP), lambda i: (i, 0)),
        out_shape=jax.ShapeDtypeStruct((_V, _EMBP), jnp.float32),
        compiler_params=pltpu.CompilerParams(
            dimension_semantics=("parallel",)),
    )(table)


def _sc_embed_sum(x2, tablep):
    mesh = plsc.VectorSubcoreMesh(core_axis_name="c", subcore_axis_name="s")

    @functools.partial(
        pl.kernel,
        out_type=jax.ShapeDtypeStruct((_B, _ACCW), jnp.float32),
        mesh=mesh,
        scratch_types=[
            pltpu.VMEM((2 * _ROWS_PER_W, _HALF), jnp.int32),
            pltpu.VMEM((_HALF, _EMBP), jnp.float32),
            pltpu.VMEM((_HALF, _EMBP), jnp.float32),
            pltpu.VMEM((_ROWS_PER_W, _ACCW), jnp.float32),
            pltpu.SemaphoreType.DMA,
            pltpu.SemaphoreType.DMA,
        ],
    )
    def k(x_hbm, tbl_hbm, out_hbm, idx_v, buf0, buf1, outb, sem0, sem1):
        wid = lax.axis_index("s") * _NC + lax.axis_index("c")
        base = wid * _ROWS_PER_W

        pltpu.sync_copy(x_hbm.at[pl.ds(2 * base, 2 * _ROWS_PER_W)], idx_v)

        def start(h, buf, sem):
            pltpu.async_copy(tbl_hbm.at[idx_v.at[h]], buf, sem)

        def wait(buf, sem):
            pltpu.make_async_copy(tbl_hbm.at[idx_v.at[0]], buf, sem).wait()

        def accum(buf, acc):
            def row(l, a):
                return tuple(
                    av + buf[l, pl.ds(16 * c, 16)]
                    for c, av in enumerate(a)
                )
            return lax.fori_loop(0, _HALF, row, acc)

        start(0, buf0, sem0)
        start(1, buf1, sem1)

        @pl.loop(0, _ROWS_PER_W)
        def _(r):
            acc = (jnp.zeros((16,), jnp.float32),) * _NCH
            wait(buf0, sem0)
            acc = accum(buf0, acc)

            @pl.when(r < _ROWS_PER_W - 1)
            def _():
                start(2 * r + 2, buf0, sem0)

            wait(buf1, sem1)
            acc = accum(buf1, acc)

            @pl.when(r < _ROWS_PER_W - 1)
            def _():
                start(2 * r + 3, buf1, sem1)

            for c, av in enumerate(acc):
                outb[r, pl.ds(16 * c, 16)] = av

        pltpu.sync_copy(outb, out_hbm.at[pl.ds(base, _ROWS_PER_W)])

    return k(x2, tablep)


def _tc_head(x, acc, t0, W1, b1, W2, b2):
    blk = 512

    def body(x_ref, acc_ref, t0_ref, w1_ref, b1_ref, w2_ref, b2_ref, o_ref):
        xb = x_ref[...]
        n0 = jnp.sum((xb == 0).astype(jnp.float32), axis=1, keepdims=True)
        s = acc_ref[...][:, 0:_EMB]
        s = s - n0 * t0_ref[...]
        h = s / ((_L - n0) + 1e-9)
        h = jnp.dot(h, w1_ref[...], preferred_element_type=jnp.float32)
        h = jnp.maximum(h + b1_ref[...], 0.0)
        o = jnp.dot(h, w2_ref[...], preferred_element_type=jnp.float32)
        o_ref[...] = o + b2_ref[...]

    return pl.pallas_call(
        body,
        grid=(_B // blk,),
        in_specs=[
            pl.BlockSpec((blk, _L), lambda i: (i, 0)),
            pl.BlockSpec((blk, _ACCW), lambda i: (i, 0)),
            pl.BlockSpec((1, _EMB), lambda i: (0, 0)),
            pl.BlockSpec((_EMB, 64), lambda i: (0, 0)),
            pl.BlockSpec((1, 64), lambda i: (0, 0)),
            pl.BlockSpec((64, 2), lambda i: (0, 0)),
            pl.BlockSpec((1, 2), lambda i: (0, 0)),
        ],
        out_specs=pl.BlockSpec((blk, 2), lambda i: (i, 0)),
        out_shape=jax.ShapeDtypeStruct((_B, 2), jnp.float32),
    )(x, acc, t0, W1, b1.reshape(1, 64), W2, b2.reshape(1, 2))


def kernel(x, table, W1, b1, W2, b2):
    x = x.astype(jnp.int32)
    x2 = x.reshape(2 * _B, _HALF)
    tablep = _tc_pad(table)
    acc = _sc_embed_sum(x2, tablep)
    t0 = lax.slice(table, (0, 0), (1, _EMB))
    return _tc_head(x, acc, t0, W1, b1, W2, b2)

# --- scband reference (transcript-rebuilt; emitter-appended) ---
"""Pipeline reference for scband-sentiment-model-75935021793761 (READ-ONLY COPY).

The authoritative reference and input builder live on the scoring server;
editing this copy changes nothing except your own understanding.
"""

import jax, jax.numpy as jnp
import numpy as np

VOCAB = 1000000
EMB = 100
B = 4096
L = 200

def setup_inputs(seed: int = 0) -> dict:
    key = jax.random.key(seed)
    k1, k2, k3, k4, k5, k6 = jax.random.split(key, 6)
    x = jax.random.randint(k1, (B, L), 0, VOCAB, dtype=jnp.int64 if jax.config.jax_enable_x64 else jnp.int32)
    table = jax.random.normal(k2, (VOCAB, EMB), dtype=jnp.float32) * 0.02
    W1 = jax.random.normal(k3, (EMB, 64), dtype=jnp.float32) * 0.1
    b1 = jax.random.normal(k4, (64,), dtype=jnp.float32) * 0.01
    W2 = jax.random.normal(k5, (64, 2), dtype=jnp.float32) * 0.1
    b2 = jax.random.normal(k6, (2,), dtype=jnp.float32) * 0.01
    return {"x": x, "table": table, "W1": W1, "b1": b1, "W2": W2, "b2": b2}

def reference(x, table, W1, b1, W2, b2):
    embedded = jnp.take(table, x, axis=0)                      # [B, L, EMB]
    mask = (x != 0)[..., None].astype(jnp.float32)              # [B, L, 1]
    masked_embedded = embedded * mask
    sum_vectors = jnp.sum(masked_embedded, axis=1)              # [B, EMB]
    word_counts = jnp.sum(mask, axis=1)                         # [B, 1]
    h = sum_vectors / (word_counts + 1e-09)
    h = h @ W1 + b1
    h = jax.nn.relu(h)
    # dropout is identity at inference
    out = h @ W2 + b2
    return out

if __name__ == "__main__":
    import jax
    _d = setup_inputs()
    print(jax.jit(kernel)(*tuple(_d.values())))

</pallas_src>

<mosaic_0001>
#map = affine_map<(d0, d1) -> (0, 0)>
module attributes {stable_mosaic.version = 14 : i64} {
  func.func @k(%arg0: i32, %arg1: i32, %arg2: memref<8192x100xi32, #tpu.memory_space<hbm>>, %arg3: memref<1000000x128xf32, #tpu.memory_space<hbm>>, %arg4: memref<4096x112xf32, #tpu.memory_space<hbm>>, %arg5: memref<256x100xi32, #tpu.memory_space<vmem>>, %arg6: memref<100x128xf32, #tpu.memory_space<vmem>>, %arg7: memref<100x128xf32, #tpu.memory_space<vmem>>, %arg8: memref<128x112xf32, #tpu.memory_space<vmem>>, %arg9: memref<!tpu.dma_semaphore, #tpu.memory_space<semaphore_mem>>, %arg10: memref<!tpu.dma_semaphore, #tpu.memory_space<semaphore_mem>>) attributes {dimension_semantics = [#tpu.dimension_semantics<core_parallel>, #tpu.dimension_semantics<subcore_parallel>], iteration_bounds = array<i64: 2, 16>, scalar_prefetch = 0 : i64, scratch_operands = 6 : i64, tpu.core_type = #tpu.core_type<sc_vector_subcore>, window_params = [{transform_indices = #map}, {transform_indices = #map}, {transform_indices = #map}]} {
    %mul3A = arith.constant 2 : i32
    %mul3A_0 = arith.muli %arg1, %mul3A : i32
    %add3A = arith.addi %mul3A_0, %arg0 : i32
    %mul3A_1 = arith.constant 128 : i32
    %mul3A_2 = arith.muli %add3A, %mul3A_1 : i32
    %mul3A_3 = arith.constant 2 : i32
    %mul3A_4 = arith.muli %mul3A_3, %mul3A_2 : i32
    "tpu.region"() ({
      %run_scoped3A = tpu.sem_alloc : memref<!tpu.dma_semaphore, #tpu.memory_space<semaphore_mem>>
      %dma_start3A_22 = arith.constant 0 : i32
      %dma_start3A_23 = tpu.memref_slice %arg2[%mul3A_4, %dma_start3A_22] : memref<8192x100xi32, #tpu.memory_space<hbm>> -> memref<256x100xi32, #tpu.memory_space<hbm>>
      %dma_start3A_24 = arith.constant 0 : i32
      %dma_start3A_25 = tpu.memref_slice %arg2[%mul3A_4, %dma_start3A_24] : memref<8192x100xi32, #tpu.memory_space<hbm>> -> memref<256x100xi32, #tpu.memory_space<hbm>>
      tpu.enqueue_dma source(%dma_start3A_25 : memref<256x100xi32, #tpu.memory_space<hbm>>) target(%arg5 : memref<256x100xi32, #tpu.memory_space<vmem>>) target_semaphore(%run_scoped3A : memref<!tpu.dma_semaphore, #tpu.memory_space<semaphore_mem>>)
      %dma_wait3A = arith.constant 0 : i32
      %dma_wait3A_26 = tpu.memref_slice %arg2[%mul3A_4, %dma_wait3A] : memref<8192x100xi32, #tpu.memory_space<hbm>> -> memref<256x100xi32, #tpu.memory_space<hbm>>
      %dma_wait3A_27 = arith.constant 0 : i32
      %dma_wait3A_28 = tpu.memref_slice %arg2[%mul3A_4, %dma_wait3A_27] : memref<8192x100xi32, #tpu.memory_space<hbm>> -> memref<256x100xi32, #tpu.memory_space<hbm>>
      tpu.wait_dma2 semaphore(%run_scoped3A : memref<!tpu.dma_semaphore, #tpu.memory_space<semaphore_mem>>) src(%dma_wait3A_28 : memref<256x100xi32, #tpu.memory_space<hbm>>) dst(%arg5 : memref<256x100xi32, #tpu.memory_space<vmem>>)
      tpu.yield
    }) : () -> ()
    %dma_start3A = arith.constant 0 : i32
    %dma_start3A_5 = arith.constant 0 : i32
    %dma_start3A_6 = tpu.memref_slice %arg5[%dma_start3A, %dma_start3A_5] : memref<256x100xi32, #tpu.memory_space<vmem>> -> memref<1x100xi32, #tpu.memory_space<vmem>>
    %dma_start3A_7 = tpu.memref_squeeze %dma_start3A_6 : memref<1x100xi32, #tpu.memory_space<vmem>> -> memref<100xi32, #tpu.memory_space<vmem>>
    %dma_start3A_8 = arith.constant 0 : i32
    %dma_start3A_9 = arith.constant 0 : i32
    %dma_start3A_10 = tpu.memref_slice %arg3[%dma_start3A_8, %dma_start3A_9] : memref<1000000x128xf32, #tpu.memory_space<hbm>> -> memref<1000000x128xf32, #tpu.memory_space<hbm>>
    tpu.enqueue_indirect_dma source(%dma_start3A_10 : memref<1000000x128xf32, #tpu.memory_space<hbm>>) target(%arg6 : memref<100x128xf32, #tpu.memory_space<vmem>>) offsets(%dma_start3A_7 : memref<100xi32, #tpu.memory_space<vmem>>) semaphore(%arg9 : memref<!tpu.dma_semaphore, #tpu.memory_space<semaphore_mem>>)
    %dma_start3A_11 = arith.constant 1 : i32
    %dma_start3A_12 = arith.constant 0 : i32
    %dma_start3A_13 = tpu.memref_slice %arg5[%dma_start3A_11, %dma_start3A_12] : memref<256x100xi32, #tpu.memory_space<vmem>> -> memref<1x100xi32, #tpu.memory_space<vmem>>
    %dma_start3A_14 = tpu.memref_squeeze %dma_start3A_13 : memref<1x100xi32, #tpu.memory_space<vmem>> -> memref<100xi32, #tpu.memory_space<vmem>>
    %dma_start3A_15 = arith.constant 0 : i32
    %dma_start3A_16 = arith.constant 0 : i32
    %dma_start3A_17 = tpu.memref_slice %arg3[%dma_start3A_15, %dma_start3A_16] : memref<1000000x128xf32, #tpu.memory_space<hbm>> -> memref<1000000x128xf32, #tpu.memory_space<hbm>>
    tpu.enqueue_indirect_dma source(%dma_start3A_17 : memref<1000000x128xf32, #tpu.memory_space<hbm>>) target(%arg7 : memref<100x128xf32, #tpu.memory_space<vmem>>) offsets(%dma_start3A_14 : memref<100xi32, #tpu.memory_space<vmem>>) semaphore(%arg10 : memref<!tpu.dma_semaphore, #tpu.memory_space<semaphore_mem>>)
    %scan3A = arith.constant 0 : i32
    %scan3A_18 = arith.constant 128 : i32
    %scan3A_19 = arith.addi %scan3A, %scan3A_18 : i32
    %scan3A_20 = arith.constant 1 : i32
    scf.for %scan3A_22 = %scan3A to %scan3A_19 step %scan3A_20  : i32 {
      %mul3A_23 = arith.constant 1 : i32
      %mul3A_24 = arith.muli %scan3A_22, %mul3A_23 : i32
      %add3A_25 = arith.constant 0 : i32
      %add3A_26 = arith.addi %add3A_25, %mul3A_24 : i32
      %broadcast_in_dim3A = arith.constant 0.000000e+00 : f32
      %broadcast_in_dim3A_27 = vector.broadcast %broadcast_in_dim3A : f32 to vector<16xf32>
      %dma_wait3A = arith.constant 0 : i32
      %dma_wait3A_28 = arith.constant 0 : i32
      %dma_wait3A_29 = tpu.memref_slice %arg5[%dma_wait3A, %dma_wait3A_28] : memref<256x100xi32, #tpu.memory_space<vmem>> -> memref<1x100xi32, #tpu.memory_space<vmem>>
      %dma_wait3A_30 = tpu.memref_squeeze %dma_wait3A_29 : memref<1x100xi32, #tpu.memory_space<vmem>> -> memref<100xi32, #tpu.memory_space<vmem>>
      %dma_wait3A_31 = arith.constant 0 : i32
      %dma_wait3A_32 = arith.constant 0 : i32
      %dma_wait3A_33 = tpu.memref_slice %arg3[%dma_wait3A_31, %dma_wait3A_32] : memref<1000000x128xf32, #tpu.memory_space<hbm>> -> memref<1000000x128xf32, #tpu.memory_space<hbm>>
      tpu.wait_indirect_dma semaphore(%arg9 : memref<!tpu.dma_semaphore, #tpu.memory_space<semaphore_mem>>) src(%dma_wait3A_33 : memref<1000000x128xf32, #tpu.memory_space<hbm>>) dst(%arg6 : memref<100x128xf32, #tpu.memory_space<vmem>>)
      %scan3A_34 = arith.constant 0 : i32
      %scan3A_35 = arith.constant 100 : i32
      %scan3A_36 = arith.addi %scan3A_34, %scan3A_35 : i32
      %scan3A_37 = arith.constant 1 : i32
      %scan3A_38:7 = scf.for %scan3A_94 = %scan3A_34 to %scan3A_36 step %scan3A_37 iter_args(%scan3A_95 = %broadcast_in_dim3A_27, %scan3A_96 = %broadcast_in_dim3A_27, %scan3A_97 = %broadcast_in_dim3A_27, %scan3A_98 = %broadcast_in_dim3A_27, %scan3A_99 = %broadcast_in_dim3A_27, %scan3A_100 = %broadcast_in_dim3A_27, %scan3A_101 = %broadcast_in_dim3A_27) -> (vector<16xf32>, vector<16xf32>, vector<16xf32>, vector<16xf32>, vector<16xf32>, vector<16xf32>, vector<16xf32>)  : i32 {
        %get3A = arith.index_cast %scan3A_94 : i32 to index
        %get3A_102 = arith.constant 0 : index
        %get3A_103 = tpu.vector_load %arg6[%get3A, %get3A_102] {strides = array<i32>} : memref<100x128xf32, #tpu.memory_space<vmem>>, vector<1x16xf32>,
        %get3A_104 = vector.shape_cast %get3A_103 : vector<1x16xf32> to vector<16xf32>
        %add3A_105 = arith.addf %scan3A_95, %get3A_104 : vector<16xf32>
        %get3A_106 = arith.index_cast %scan3A_94 : i32 to index
        %get3A_107 = arith.constant 16 : index
        %get3A_108 = tpu.vector_load %arg6[%get3A_106, %get3A_107] {strides = array<i32>} : memref<100x128xf32, #tpu.memory_space<vmem>>, vector<1x16xf32>,
        %get3A_109 = vector.shape_cast %get3A_108 : vector<1x16xf32> to vector<16xf32>
        %add3A_110 = arith.addf %scan3A_96, %get3A_109 : vector<16xf32>
        %get3A_111 = arith.index_cast %scan3A_94 : i32 to index
        %get3A_112 = arith.constant 32 : index
        %get3A_113 = tpu.vector_load %arg6[%get3A_111, %get3A_112] {strides = array<i32>} : memref<100x128xf32, #tpu.memory_space<vmem>>, vector<1x16xf32>,
        %get3A_114 = vector.shape_cast %get3A_113 : vector<1x16xf32> to vector<16xf32>
        %add3A_115 = arith.addf %scan3A_97, %get3A_114 : vector<16xf32>
        %get3A_116 = arith.index_cast %scan3A_94 : i32 to index
        %get3A_117 = arith.constant 48 : index
        %get3A_118 = tpu.vector_load %arg6[%get3A_116, %get3A_117] {strides = array<i32>} : memref<100x128xf32, #tpu.memory_space<vmem>>, vector<1x16xf32>,
        %get3A_119 = vector.shape_cast %get3A_118 : vector<1x16xf32> to vector<16xf32>
        %add3A_120 = arith.addf %scan3A_98, %get3A_119 : vector<16xf32>
        %get3A_121 = arith.index_cast %scan3A_94 : i32 to index
        %get3A_122 = arith.constant 64 : index
        %get3A_123 = tpu.vector_load %arg6[%get3A_121, %get3A_122] {strides = array<i32>} : memref<100x128xf32, #tpu.memory_space<vmem>>, vector<1x16xf32>,
        %get3A_124 = vector.shape_cast %get3A_123 : vector<1x16xf32> to vector<16xf32>
        %add3A_125 = arith.addf %scan3A_99, %get3A_124 : vector<16xf32>
        %get3A_126 = arith.index_cast %scan3A_94 : i32 to index
        %get3A_127 = arith.constant 80 : index
        %get3A_128 = tpu.vector_load %arg6[%get3A_126, %get3A_127] {strides = array<i32>} : memref<100x128xf32, #tpu.memory_space<vmem>>, vector<1x16xf32>,
        %get3A_129 = vector.shape_cast %get3A_128 : vector<1x16xf32> to vector<16xf32>
        %add3A_130 = arith.addf %scan3A_100, %get3A_129 : vector<16xf32>
        %get3A_131 = arith.index_cast %scan3A_94 : i32 to index
        %get3A_132 = arith.constant 96 : index
        %get3A_133 = tpu.vector_load %arg6[%get3A_131, %get3A_132] {strides = array<i32>} : memref<100x128xf32, #tpu.memory_space<vmem>>, vector<1x16xf32>,
        %get3A_134 = vector.shape_cast %get3A_133 : vector<1x16xf32> to vector<16xf32>
        %add3A_135 = arith.addf %scan3A_101, %get3A_134 : vector<16xf32>
        scf.yield %add3A_105, %add3A_110, %add3A_115, %add3A_120, %add3A_125, %add3A_130, %add3A_135 : vector<16xf32>, vector<16xf32>, vector<16xf32>, vector<16xf32>, vector<16xf32>, vector<16xf32>, vector<16xf32>
      }
      %scan3A_39 = arith.constant 100 : i32
      %lt3A = arith.constant 127 : i32
      %lt3A_40 = arith.cmpi slt, %add3A_26, %lt3A : i32
      %convert_element_type3A = arith.extui %lt3A_40 : i1 to i32
      %cond3A = arith.constant 0 : i32
      %cond3A_41 = arith.cmpi ne, %convert_element_type3A, %cond3A : i32
      scf.if %cond3A_41 {
        %mul3A_94 = arith.constant 2 : i32
        %mul3A_95 = arith.muli %mul3A_94, %add3A_26 : i32
        %add3A_96 = arith.constant 2 : i32
        %add3A_97 = arith.addi %mul3A_95, %add3A_96 : i32
        %dma_start3A_98 = arith.constant 0 : i32
        %dma_start3A_99 = tpu.memref_slice %arg5[%add3A_97, %dma_start3A_98] : memref<256x100xi32, #tpu.memory_space<vmem>> -> memref<1x100xi32, #tpu.memory_space<vmem>>
        %dma_start3A_100 = tpu.memref_squeeze %dma_start3A_99 : memref<1x100xi32, #tpu.memory_space<vmem>> -> memref<100xi32, #tpu.memory_space<vmem>>
        %dma_start3A_101 = arith.constant 0 : i32
        %dma_start3A_102 = arith.constant 0 : i32
        %dma_start3A_103 = tpu.memref_slice %arg3[%dma_start3A_101, %dma_start3A_102] : memref<1000000x128xf32, #tpu.memory_space<hbm>> -> memref<1000000x128xf32, #tpu.memory_space<hbm>>
        tpu.enqueue_indirect_dma source(%dma_start3A_103 : memref<1000000x128xf32, #tpu.memory_space<hbm>>) target(%arg6 : memref<100x128xf32, #tpu.memory_space<vmem>>) offsets(%dma_start3A_100 : memref<100xi32, #tpu.memory_space<vmem>>) semaphore(%arg9 : memref<!tpu.dma_semaphore, #tpu.memory_space<semaphore_mem>>)
      } else {
      }
      %dma_wait3A_42 = arith.constant 0 : i32
      %dma_wait3A_43 = arith.constant 0 : i32
      %dma_wait3A_44 = tpu.memref_slice %arg5[%dma_wait3A_42, %dma_wait3A_43] : memref<256x100xi32, #tpu.memory_space<vmem>> -> memref<1x100xi32, #tpu.memory_space<vmem>>
      %dma_wait3A_45 = tpu.memref_squeeze %dma_wait3A_44 : memref<1x100xi32, #tpu.memory_space<vmem>> -> memref<100xi32, #tpu.memory_space<vmem>>
      %dma_wait3A_46 = arith.constant 0 : i32
      %dma_wait3A_47 = arith.constant 0 : i32
      %dma_wait3A_48 = tpu.memref_slice %arg3[%dma_wait3A_46, %dma_wait3A_47] : memref<1000000x128xf32, #tpu.memory_space<hbm>> -> memref<1000000x128xf32, #tpu.memory_space<hbm>>
      tpu.wait_indirect_dma semaphore(%arg10 : memref<!tpu.dma_semaphore, #tpu.memory_space<semaphore_mem>>) src(%dma_wait3A_48 : memref<1000000x128xf32, #tpu.memory_space<hbm>>) dst(%arg7 : memref<100x128xf32, #tpu.memory_space<vmem>>)
      %scan3A_49 = arith.constant 0 : i32
      %scan3A_50 = arith.constant 100 : i32
      %scan3A_51 = arith.addi %scan3A_49, %scan3A_50 : i32
      %scan3A_52 = arith.constant 1 : i32
      %scan3A_53:7 = scf.for %scan3A_94 = %scan3A_49 to %scan3A_51 step %scan3A_52 iter_args(%scan3A_95 = %scan3A_38#0, %scan3A_96 = %scan3A_38#1, %scan3A_97 = %scan3A_38#2, %scan3A_98 = %scan3A_38#3, %scan3A_99 = %scan3A_38#4, %scan3A_100 = %scan3A_38#5, %scan3A_101 = %scan3A_38#6) -> (vector<16xf32>, vector<16xf32>, vector<16xf32>, vector<16xf32>, vector<16xf32>, vector<16xf32>, vector<16xf32>)  : i32 {
        %get3A = arith.index_cast %scan3A_94 : i32 to index
        %get3A_102 = arith.constant 0 : index
        %get3A_103 = tpu.vector_load %arg7[%get3A, %get3A_102] {strides = array<i32>} : memref<100x128xf32, #tpu.memory_space<vmem>>, vector<1x16xf32>,
        %get3A_104 = vector.shape_cast %get3A_103 : vector<1x16xf32> to vector<16xf32>
        %add3A_105 = arith.addf %scan3A_95, %get3A_104 : vector<16xf32>
        %get3A_106 = arith.index_cast %scan3A_94 : i32 to index
        %get3A_107 = arith.constant 16 : index
        %get3A_108 = tpu.vector_load %arg7[%get3A_106, %get3A_107] {strides = array<i32>} : memref<100x128xf32, #tpu.memory_space<vmem>>, vector<1x16xf32>,
        %get3A_109 = vector.shape_cast %get3A_108 : vector<1x16xf32> to vector<16xf32>
        %add3A_110 = arith.addf %scan3A_96, %get3A_109 : vector<16xf32>
        %get3A_111 = arith.index_cast %scan3A_94 : i32 to index
        %get3A_112 = arith.constant 32 : index
        %get3A_113 = tpu.vector_load %arg7[%get3A_111, %get3A_112] {strides = array<i32>} : memref<100x128xf32, #tpu.memory_space<vmem>>, vector<1x16xf32>,
        %get3A_114 = vector.shape_cast %get3A_113 : vector<1x16xf32> to vector<16xf32>
        %add3A_115 = arith.addf %scan3A_97, %get3A_114 : vector<16xf32>
        %get3A_116 = arith.index_cast %scan3A_94 : i32 to index
        %get3A_117 = arith.constant 48 : index
        %get3A_118 = tpu.vector_load %arg7[%get3A_116, %get3A_117] {strides = array<i32>} : memref<100x128xf32, #tpu.memory_space<vmem>>, vector<1x16xf32>,
        %get3A_119 = vector.shape_cast %get3A_118 : vector<1x16xf32> to vector<16xf32>
        %add3A_120 = arith.addf %scan3A_98, %get3A_119 : vector<16xf32>
        %get3A_121 = arith.index_cast %scan3A_94 : i32 to index
        %get3A_122 = arith.constant 64 : index
        %get3A_123 = tpu.vector_load %arg7[%get3A_121, %get3A_122] {strides = array<i32>} : memref<100x128xf32, #tpu.memory_space<vmem>>, vector<1x16xf32>,
        %get3A_124 = vector.shape_cast %get3A_123 : vector<1x16xf32> to vector<16xf32>
        %add3A_125 = arith.addf %scan3A_99, %get3A_124 : vector<16xf32>
        %get3A_126 = arith.index_cast %scan3A_94 : i32 to index
        %get3A_127 = arith.constant 80 : index
        %get3A_128 = tpu.vector_load %arg7[%get3A_126, %get3A_127] {strides = array<i32>} : memref<100x128xf32, #tpu.memory_space<vmem>>, vector<1x16xf32>,
        %get3A_129 = vector.shape_cast %get3A_128 : vector<1x16xf32> to vector<16xf32>
        %add3A_130 = arith.addf %scan3A_100, %get3A_129 : vector<16xf32>
        %get3A_131 = arith.index_cast %scan3A_94 : i32 to index
        %get3A_132 = arith.constant 96 : index
        %get3A_133 = tpu.vector_load %arg7[%get3A_131, %get3A_132] {strides = array<i32>} : memref<100x128xf32, #tpu.memory_space<vmem>>, vector<1x16xf32>,
        %get3A_134 = vector.shape_cast %get3A_133 : vector<1x16xf32> to vector<16xf32>
        %add3A_135 = arith.addf %scan3A_101, %get3A_134 : vector<16xf32>
        scf.yield %add3A_105, %add3A_110, %add3A_115, %add3A_120, %add3A_125, %add3A_130, %add3A_135 : vector<16xf32>, vector<16xf32>, vector<16xf32>, vector<16xf32>, vector<16xf32>, vector<16xf32>, vector<16xf32>
      }
      %scan3A_54 = arith.constant 100 : i32
      %lt3A_55 = arith.constant 127 : i32
      %lt3A_56 = arith.cmpi slt, %add3A_26, %lt3A_55 : i32
      %convert_element_type3A_57 = arith.extui %lt3A_56 : i1 to i32
      %cond3A_58 = arith.constant 0 : i32
      %cond3A_59 = arith.cmpi ne, %convert_element_type3A_57, %cond3A_58 : i32
      scf.if %cond3A_59 {
        %mul3A_94 = arith.constant 2 : i32
        %mul3A_95 = arith.muli %mul3A_94, %add3A_26 : i32
        %add3A_96 = arith.constant 3 : i32
        %add3A_97 = arith.addi %mul3A_95, %add3A_96 : i32
        %dma_start3A_98 = arith.constant 0 : i32
        %dma_start3A_99 = tpu.memref_slice %arg5[%add3A_97, %dma_start3A_98] : memref<256x100xi32, #tpu.memory_space<vmem>> -> memref<1x100xi32, #tpu.memory_space<vmem>>
        %dma_start3A_100 = tpu.memref_squeeze %dma_start3A_99 : memref<1x100xi32, #tpu.memory_space<vmem>> -> memref<100xi32, #tpu.memory_space<vmem>>
        %dma_start3A_101 = arith.constant 0 : i32
        %dma_start3A_102 = arith.constant 0 : i32
        %dma_start3A_103 = tpu.memref_slice %arg3[%dma_start3A_101, %dma_start3A_102] : memref<1000000x128xf32, #tpu.memory_space<hbm>> -> memref<1000000x128xf32, #tpu.memory_space<hbm>>
        tpu.enqueue_indirect_dma source(%dma_start3A_103 : memref<1000000x128xf32, #tpu.memory_space<hbm>>) target(%arg7 : memref<100x128xf32, #tpu.memory_space<vmem>>) offsets(%dma_start3A_100 : memref<100xi32, #tpu.memory_space<vmem>>) semaphore(%arg10 : memref<!tpu.dma_semaphore, #tpu.memory_space<semaphore_mem>>)
      } else {
      }
      %swap3A = arith.index_cast %add3A_26 : i32 to index
      %swap3A_60 = arith.constant 0 : index
      %swap3A_61 = tpu.vector_load %arg8[%swap3A, %swap3A_60] {strides = array<i32>} : memref<128x112xf32, #tpu.memory_space<vmem>>, vector<1x16xf32>,
      %swap3A_62 = vector.shape_cast %swap3A_61 : vector<1x16xf32> to vector<16xf32>
      %swap3A_63 = vector.shape_cast %scan3A_53#0 : vector<16xf32> to vector<1x16xf32>
      tpu.vector_store %arg8[%swap3A, %swap3A_60], %swap3A_63 {strides = array<i32>} : memref<128x112xf32, #tpu.memory_space<vmem>>, vector<1x16xf32>,
      %swap3A_64 = arith.index_cast %add3A_26 : i32 to index
      %swap3A_65 = arith.constant 16 : index
      %swap3A_66 = tpu.vector_load %arg8[%swap3A_64, %swap3A_65] {strides = array<i32>} : memref<128x112xf32, #tpu.memory_space<vmem>>, vector<1x16xf32>,
      %swap3A_67 = vector.shape_cast %swap3A_66 : vector<1x16xf32> to vector<16xf32>
      %swap3A_68 = vector.shape_cast %scan3A_53#1 : vector<16xf32> to vector<1x16xf32>
      tpu.vector_store %arg8[%swap3A_64, %swap3A_65], %swap3A_68 {strides = array<i32>} : memref<128x112xf32, #tpu.memory_space<vmem>>, vector<1x16xf32>,
      %swap3A_69 = arith.index_cast %add3A_26 : i32 to index
      %swap3A_70 = arith.constant 32 : index
      %swap3A_71 = tpu.vector_load %arg8[%swap3A_69, %swap3A_70] {strides = array<i32>} : memref<128x112xf32, #tpu.memory_space<vmem>>, vector<1x16xf32>,
      %swap3A_72 = vector.shape_cast %swap3A_71 : vector<1x16xf32> to vector<16xf32>
      %swap3A_73 = vector.shape_cast %scan3A_53#2 : vector<16xf32> to vector<1x16xf32>
      tpu.vector_store %arg8[%swap3A_69, %swap3A_70], %swap3A_73 {strides = array<i32>} : memref<128x112xf32, #tpu.memory_space<vmem>>, vector<1x16xf32>,
      %swap3A_74 = arith.index_cast %add3A_26 : i32 to index
      %swap3A_75 = arith.constant 48 : index
      %swap3A_76 = tpu.vector_load %arg8[%swap3A_74, %swap3A_75] {strides = array<i32>} : memref<128x112xf32, #tpu.memory_space<vmem>>, vector<1x16xf32>,
      %swap3A_77 = vector.shape_cast %swap3A_76 : vector<1x16xf32> to vector<16xf32>
      %swap3A_78 = vector.shape_cast %scan3A_53#3 : vector<16xf32> to vector<1x16xf32>
      tpu.vector_store %arg8[%swap3A_74, %swap3A_75], %swap3A_78 {strides = array<i32>} : memref<128x112xf32, #tpu.memory_space<vmem>>, vector<1x16xf32>,
      %swap3A_79 = arith.index_cast %add3A_26 : i32 to index
      %swap3A_80 = arith.constant 64 : index
      %swap3A_81 = tpu.vector_load %arg8[%swap3A_79, %swap3A_80] {strides = array<i32>} : memref<128x112xf32, #tpu.memory_space<vmem>>, vector<1x16xf32>,
      %swap3A_82 = vector.shape_cast %swap3A_81 : vector<1x16xf32> to vector<16xf32>
      %swap3A_83 = vector.shape_cast %scan3A_53#4 : vector<16xf32> to vector<1x16xf32>
      tpu.vector_store %arg8[%swap3A_79, %swap3A_80], %swap3A_83 {strides = array<i32>} : memref<128x112xf32, #tpu.memory_space<vmem>>, vector<1x16xf32>,
      %swap3A_84 = arith.index_cast %add3A_26 : i32 to index
      %swap3A_85 = arith.constant 80 : index
      %swap3A_86 = tpu.vector_load %arg8[%swap3A_84, %swap3A_85] {strides = array<i32>} : memref<128x112xf32, #tpu.memory_space<vmem>>, vector<1x16xf32>,
      %swap3A_87 = vector.shape_cast %swap3A_86 : vector<1x16xf32> to vector<16xf32>
      %swap3A_88 = vector.shape_cast %scan3A_53#5 : vector<16xf32> to vector<1x16xf32>
      tpu.vector_store %arg8[%swap3A_84, %swap3A_85], %swap3A_88 {strides = array<i32>} : memref<128x112xf32, #tpu.memory_space<vmem>>, vector<1x16xf32>,
      %swap3A_89 = arith.index_cast %add3A_26 : i32 to index
      %swap3A_90 = arith.constant 96 : index
      %swap3A_91 = tpu.vector_load %arg8[%swap3A_89, %swap3A_90] {strides = array<i32>} : memref<128x112xf32, #tpu.memory_space<vmem>>, vector<1x16xf32>,
      %swap3A_92 = vector.shape_cast %swap3A_91 : vector<1x16xf32> to vector<16xf32>
      %swap3A_93 = vector.shape_cast %scan3A_53#6 : vector<16xf32> to vector<1x16xf32>
      tpu.vector_store %arg8[%swap3A_89, %swap3A_90], %swap3A_93 {strides = array<i32>} : memref<128x112xf32, #tpu.memory_space<vmem>>, vector<1x16xf32>,
    }
    %scan3A_21 = arith.constant 128 : i32
    "tpu.region"() ({
      %run_scoped3A = tpu.sem_alloc : memref<!tpu.dma_semaphore, #tpu.memory_space<semaphore_mem>>
      %dma_start3A_22 = arith.constant 0 : i32
      %dma_start3A_23 = tpu.memref_slice %arg4[%mul3A_2, %dma_start3A_22] : memref<4096x112xf32, #tpu.memory_space<hbm>> -> memref<128x112xf32, #tpu.memory_space<hbm>>
      %dma_start3A_24 = arith.constant 0 : i32
      %dma_start3A_25 = tpu.memref_slice %arg4[%mul3A_2, %dma_start3A_24] : memref<4096x112xf32, #tpu.memory_space<hbm>> -> memref<128x112xf32, #tpu.memory_space<hbm>>
      tpu.enqueue_dma source(%arg8 : memref<128x112xf32, #tpu.memory_space<vmem>>) target(%dma_start3A_25 : memref<128x112xf32, #tpu.memory_space<hbm>>) target_semaphore(%run_scoped3A : memref<!tpu.dma_semaphore, #tpu.memory_space<semaphore_mem>>)
      %dma_wait3A = arith.constant 0 : i32
      %dma_wait3A_26 = tpu.memref_slice %arg4[%mul3A_2, %dma_wait3A] : memref<4096x112xf32, #tpu.memory_space<hbm>> -> memref<128x112xf32, #tpu.memory_space<hbm>>
      %dma_wait3A_27 = arith.constant 0 : i32
      %dma_wait3A_28 = tpu.memref_slice %arg4[%mul3A_2, %dma_wait3A_27] : memref<4096x112xf32, #tpu.memory_space<hbm>> -> memref<128x112xf32, #tpu.memory_space<hbm>>
      tpu.wait_dma2 semaphore(%run_scoped3A : memref<!tpu.dma_semaphore, #tpu.memory_space<semaphore_mem>>) src(%arg8 : memref<128x112xf32, #tpu.memory_space<vmem>>) dst(%dma_wait3A_28 : memref<128x112xf32, #tpu.memory_space<hbm>>)
      tpu.yield
    }) : () -> ()
    return
  }
}

module attributes {stable_mosaic.version = 14 : i64} {
  func.func @body(%arg0: i32, %arg1: memref<8000x100xf32, #tpu.memory_space<vmem>>, %arg2: memref<8000x128xf32, #tpu.memory_space<vmem>>) attributes {dimension_semantics = [#tpu.dimension_semantics<parallel>], iteration_bounds = array<i64: 125>, scalar_prefetch = 0 : i64, scratch_operands = 0 : i64, tpu.core_type = #tpu.core_type<tc>, window_params = [{transform_indices = @transform_0, window_bounds = array<i64: 8000, 100>}, {transform_indices = @transform_1, window_bounds = array<i64: 8000, 128>}]} {
    %get3A = arith.constant 0 : index
    %get3A_0 = arith.constant 0 : index
    %get3A_1 = vector.load %arg1[%get3A, %get3A_0] : memref<8000x100xf32, #tpu.memory_space<vmem>>, vector<8000x100xf32>
    %broadcast_in_dim3A = arith.constant 0.000000e+00 : f32
    %broadcast_in_dim3A_2 = vector.broadcast %broadcast_in_dim3A : f32 to vector<8000x28xf32>
    %concatenate3A = tpu.concatenate %get3A_1, %broadcast_in_dim3A_2 in 1 : vector<8000x100xf32>, vector<8000x28xf32> -> vector<8000x128xf32>
    %swap3A = arith.constant 0 : index
    %swap3A_3 = arith.constant 0 : index
    %swap3A_4 = vector.load %arg2[%swap3A, %swap3A_3] : memref<8000x128xf32, #tpu.memory_space<vmem>>, vector<8000x128xf32>
    tpu.vector_store %arg2[%swap3A, %swap3A_3], %concatenate3A {strides = array<i32>} : memref<8000x128xf32, #tpu.memory_space<vmem>>, vector<8000x128xf32>,
    return
  }
  func.func @transform_0(%arg0: i32) -> (i32, i32) {
    %c0_i32 = arith.constant 0 : i32
    %c0_i32_0 = arith.constant 0 : i32
    return %arg0, %c0_i32 : i32, i32
  }
  func.func @transform_1(%arg0: i32) -> (i32, i32) {
    %c0_i32 = arith.constant 0 : i32
    %c0_i32_0 = arith.constant 0 : i32
    return %arg0, %c0_i32 : i32, i32
  }
}

module attributes {stable_mosaic.version = 14 : i64} {
  func.func @body(%arg0: i32, %arg1: memref<512x200xi32, #tpu.memory_space<vmem>>, %arg2: memref<512x112xf32, #tpu.memory_space<vmem>>, %arg3: memref<1x100xf32, #tpu.memory_space<vmem>>, %arg4: memref<100x64xf32, #tpu.memory_space<vmem>>, %arg5: memref<1x64xf32, #tpu.memory_space<vmem>>, %arg6: memref<64x2xf32, #tpu.memory_space<vmem>>, %arg7: memref<1x2xf32, #tpu.memory_space<vmem>>, %arg8: memref<512x2xf32, #tpu.memory_space<vmem>>) attributes {dimension_semantics = [#tpu.dimension_semantics<arbitrary>], iteration_bounds = array<i64: 8>, scalar_prefetch = 0 : i64, scratch_operands = 0 : i64, tpu.core_type = #tpu.core_type<tc>, window_params = [{transform_indices = @transform_0, window_bounds = array<i64: 512, 200>}, {transform_indices = @transform_1, window_bounds = array<i64: 512, 112>}, {pipeline_mode = #tpu.pipeline_mode<synchronous>, transform_indices = @transform_2, window_bounds = array<i64: 1, 100>}, {pipeline_mode = #tpu.pipeline_mode<synchronous>, transform_indices = @transform_3, window_bounds = array<i64: 100, 64>}, {pipeline_mode = #tpu.pipeline_mode<synchronous>, transform_indices = @transform_4, window_bounds = array<i64: 1, 64>}, {pipeline_mode = #tpu.pipeline_mode<synchronous>, transform_indices = @transform_5, window_bounds = array<i64: 64, 2>}, {pipeline_mode = #tpu.pipeline_mode<synchronous>, transform_indices = @transform_6, window_bounds = array<i64: 1, 2>}, {transform_indices = @transform_7, window_bounds = array<i64: 512, 2>}]} {
    %get3A = arith.constant 0 : index
    %get3A_0 = arith.constant 0 : index
    %get3A_1 = vector.load %arg1[%get3A, %get3A_0] : memref<512x200xi32, #tpu.memory_space<vmem>>, vector<512x200xi32>
    %eq3A = arith.constant 0 : i32
    %eq3A_2 = vector.broadcast %eq3A : i32 to vector<512x200xi32>
    %eq3A_3 = arith.cmpi eq, %get3A_1, %eq3A_2 : vector<512x200xi32>
    %convert_element_type3A = arith.extui %eq3A_3 : vector<512x200xi1> to vector<512x200xi32>
    %convert_element_type3A_4 = arith.sitofp %convert_element_type3A : vector<512x200xi32> to vector<512x200xf32>
    %reduce_sum3A = arith.constant dense<0.000000e+00> : vector<512xf32>
    %reduce_sum3A_5 = vector.multi_reduction <add>, %convert_element_type3A_4, %reduce_sum3A [1] : vector<512x200xf32> to vector<512xf32>
    %broadcast_in_dim3A = vector.shape_cast %reduce_sum3A_5 : vector<512xf32> to vector<512x1xf32>
    %get3A_6 = arith.constant 0 : index
    %get3A_7 = arith.constant 0 : index
    %get3A_8 = vector.load %arg2[%get3A_6, %get3A_7] : memref<512x112xf32, #tpu.memory_space<vmem>>, vector<512x112xf32>
    %slice3A = vector.extract_strided_slice %get3A_8 {offsets = [0, 0], sizes = [512, 100], strides = [1, 1]} : vector<512x112xf32> to vector<512x100xf32>
    %get3A_9 = arith.constant 0 : index
    %get3A_10 = arith.constant 0 : index
    %get3A_11 = vector.load %arg3[%get3A_9, %get3A_10] : memref<1x100xf32, #tpu.memory_space<vmem>>, vector<1x100xf32>
    %mul3A = vector.broadcast %broadcast_in_dim3A : vector<512x1xf32> to vector<512x100xf32>
    %mul3A_12 = vector.broadcast %get3A_11 : vector<1x100xf32> to vector<512x100xf32>
    %mul3A_13 = arith.mulf %mul3A, %mul3A_12 : vector<512x100xf32>
    %sub3A = arith.subf %slice3A, %mul3A_13 : vector<512x100xf32>
    %sub3A_14 = arith.constant 2.000000e+02 : f32
    %sub3A_15 = vector.broadcast %sub3A_14 : f32 to vector<512x1xf32>
    %sub3A_16 = arith.subf %sub3A_15, %broadcast_in_dim3A : vector<512x1xf32>
    %add3A = arith.constant 9.99999971E-10 : f32
    %add3A_17 = vector.broadcast %add3A : f32 to vector<512x1xf32>
    %add3A_18 = arith.addf %sub3A_16, %add3A_17 : vector<512x1xf32>
    %div3A = vector.broadcast %add3A_18 : vector<512x1xf32> to vector<512x100xf32>
    %div3A_19 = arith.divf %sub3A, %div3A : vector<512x100xf32>
    %get3A_20 = arith.constant 0 : index
    %get3A_21 = arith.constant 0 : index
    %get3A_22 = vector.load %arg4[%get3A_20, %get3A_21] : memref<100x64xf32, #tpu.memory_space<vmem>>, vector<100x64xf32>
    %dot_general3A = arith.constant dense<0.000000e+00> : vector<512x64xf32>
    %dot_general3A_23 = tpu.matmul %div3A_19, %get3A_22, %dot_general3A {dimension_numbers = #tpu.dot_dimension_numbers<[1], [0], [0], [1], [0, 0, 1, 1], [], []>, transpose_lhs_hint = false} : vector<512x100xf32>, vector<100x64xf32>, vector<512x64xf32> -> vector<512x64xf32>
    %get3A_24 = arith.constant 0 : index
    %get3A_25 = arith.constant 0 : index
    %get3A_26 = vector.load %arg5[%get3A_24, %get3A_25] : memref<1x64xf32, #tpu.memory_space<vmem>>, vector<1x64xf32>
    %add3A_27 = vector.broadcast %get3A_26 : vector<1x64xf32> to vector<512x64xf32>
    %add3A_28 = arith.addf %dot_general3A_23, %add3A_27 : vector<512x64xf32>
    %max3A = arith.constant 0.000000e+00 : f32
    %max3A_29 = vector.broadcast %max3A : f32 to vector<512x64xf32>
    %max3A_30 = arith.maximumf %add3A_28, %max3A_29 : vector<512x64xf32>
    %get3A_31 = arith.constant 0 : index
    %get3A_32 = arith.constant 0 : index
    %get3A_33 = vector.load %arg6[%get3A_31, %get3A_32] : memref<64x2xf32, #tpu.memory_space<vmem>>, vector<64x2xf32>
    %dot_general3A_34 = arith.constant dense<0.000000e+00> : vector<512x2xf32>
    %dot_general3A_35 = tpu.matmul %max3A_30, %get3A_33, %dot_general3A_34 {dimension_numbers = #tpu.dot_dimension_numbers<[1], [0], [0], [1], [0, 0, 1, 1], [], []>, transpose_lhs_hint = false} : vector<512x64xf32>, vector<64x2xf32>, vector<512x2xf32> -> vector<512x2xf32>
    %get3A_36 = arith.constant 0 : index
    %get3A_37 = arith.constant 0 : index
    %get3A_38 = vector.load %arg7[%get3A_36, %get3A_37] : memref<1x2xf32, #tpu.memory_space<vmem>>, vector<1x2xf32>
    %add3A_39 = vector.broadcast %get3A_38 : vector<1x2xf32> to vector<512x2xf32>
    %add3A_40 = arith.addf %dot_general3A_35, %add3A_39 : vector<512x2xf32>
    %swap3A = arith.constant 0 : index
    %swap3A_41 = arith.constant 0 : index
    %swap3A_42 = vector.load %arg8[%swap3A, %swap3A_41] : memref<512x2xf32, #tpu.memory_space<vmem>>, vector<512x2xf32>
    tpu.vector_store %arg8[%swap3A, %swap3A_41], %add3A_40 {strides = array<i32>} : memref<512x2xf32, #tpu.memory_space<vmem>>, vector<512x2xf32>,
    return
  }
  func.func @transform_0(%arg0: i32) -> (i32, i32) {
    %c0_i32 = arith.constant 0 : i32
    %c0_i32_0 = arith.constant 0 : i32
    return %arg0, %c0_i32 : i32, i32
  }
  func.func @transform_1(%arg0: i32) -> (i32, i32) {
    %c0_i32 = arith.constant 0 : i32
    %c0_i32_0 = arith.constant 0 : i32
    return %arg0, %c0_i32 : i32, i32
  }
  func.func @transform_2(%arg0: i32) -> (i32, i32) {
    %c0_i32 = arith.constant 0 : i32
    %c0_i32_0 = arith.constant 0 : i32
    %c0_i32_1 = arith.constant 0 : i32
    return %c0_i32, %c0_i32_0 : i32, i32
  }
  func.func @transform_3(%arg0: i32) -> (i32, i32) {
    %c0_i32 = arith.constant 0 : i32
    %c0_i32_0 = arith.constant 0 : i32
    %c0_i32_1 = arith.constant 0 : i32
    return %c0_i32, %c0_i32_0 : i32, i32
  }
  func.func @transform_4(%arg0: i32) -> (i32, i32) {
    %c0_i32 = arith.constant 0 : i32
    %c0_i32_0 = arith.constant 0 : i32
    %c0_i32_1 = arith.constant 0 : i32
    return %c0_i32, %c0_i32_0 : i32, i32
  }
  func.func @transform_5(%arg0: i32) -> (i32, i32) {
    %c0_i32 = arith.constant 0 : i32
    %c0_i32_0 = arith.constant 0 : i32
    %c0_i32_1 = arith.constant 0 : i32
    return %c0_i32, %c0_i32_0 : i32, i32
  }
  func.func @transform_6(%arg0: i32) -> (i32, i32) {
    %c0_i32 = arith.constant 0 : i32
    %c0_i32_0 = arith.constant 0 : i32
    %c0_i32_1 = arith.constant 0 : i32
    return %c0_i32, %c0_i32_0 : i32, i32
  }
  func.func @transform_7(%arg0: i32) -> (i32, i32) {
    %c0_i32 = arith.constant 0 : i32
    %c0_i32_0 = arith.constant 0 : i32
    return %arg0, %c0_i32 : i32, i32
  }
}

</mosaic_0001>

<sc_bundles>
// kernel: kernel.5.cloned.1.call-start
scs
__scs_entry_jumppad:
0x0: {  	(pc) =	sbr.rel $0x88, $3  }
0x1: {  	(tag) =	ssettag $0x0;
	lr =	simm.s32 $0x1  }
0x2: {  	[smem:$0x3F9B] =	sst lr;
	_ =	strace $0xD0000000  }
0x3: {  	_ = 	snop  }
0x4: {  	_ = 	snop  }
0x5: {  	_ = 	snop  }
0x6: {  	_ = 	snop  }
0x7: {  	_ = 	snop  }
__scs_overlays_trampoline_lowered:
0x8: {  	[smem:$0x3FAA] =	sst s0  }
0x9: {  	[smem:$0x3FAB] =	sst s1  }
0xa: {  	[smem:$0x3FAC] =	sst s2  }
0xb: {  	[smem:$0x3FAD] =	sst s3  }
0xc: {  	[smem:$0x3FAE] =	sst s4  }
0xd: {  	[smem:$0x3FAF] =	sst s5  }
0xe: {  	[smem:$0x3FB0] =	sst s6  }
0xf: {  	[smem:$0x3FB1] =	sst s7  }
0x10: {  	[smem:$0x3FB2] =	sst s8  }
0x11: {  	[smem:$0x3FB3] =	sst s9;
	s0 =	simm.s32 @!p0 $0x0  }
0x12: {  	s1 =	sld [smem:$0x3F99];
	s0 =	simm.s32 @p0 $0x1  }
0x13: {  	[smem:$0x3FB4] =	sst s0;
	s0 =	simm.s32 @!p1 $0x0  }
0x14: {  	s2 =	sld [smem:$0x3F98];
	s0 =	simm.s32 @p1 $0x1  }
0x15: {  	[smem:$0x3FB5] =	sst s0;
	s0 =	simm.s32 @!p2 $0x0  }
0x16: {  	s3 =	sld [smem:$0x3FDB];
	s0 =	simm.s32 @p2 $0x1  }
0x17: {  	s4 =	simm.s32 $0x1BF5;
	[smem:$0x3FB7] =	sst s0  }
0x18: {  	s0 =	sld [smem:$0x3F9A];
	_ =	swait.ge [sflag:s4], $0x0  }
0x19: {  	s7 =	sld [smem:$0x3F9B]  }
0x1a: {  	s8 =	sadd.s32 $0xFFFFE003, lr  }
0x1b: {  	s9 =	sadd.s32 $0xFFFFFEF7, lr;
	s5 =	simm.s32 $0xFFFFFFFF;
	p2 =	slt.u32 s8, $0xFFFFF086  }
0x1c: {  	p1 =	slt.u32 s9, $0xF7A;
	s5 =	simm.s32 @!p2 $0x0  }
0x1d: {  	s5 =	simm.s32 @p1 $0x1;
	p0 =	seq.s32 s7, s2  }
0x1e: {  	s7 =	smul.u32 @!p0 $0xF7A, s2;
	p2 =	seq.s32 @!p0 s5, $0x0  }
0x1f: {  	s9 =	smul.u32 $0xF7A, s1;
	s8 =	simm.s32 @!p0 $0x1BF5;
	p2 =	por !p2, p0  }
0x20: {  	[sflag:s8] =	ssyncset.s32 @!p0 $0xFFFFF086;
	s6 =	sadd.s32 @!p0 s3, s7;
	s7 =	simm.s32 @!p0 $0x108  }
0x21: {  	s3 =	sadd.s32 s3, s9;
	s6 =	sadd.s32 @!p0 $0x88, s6;
	s7 =	simm.s32 @p2 $0x1082  }
0x22: {  	[simem:s7], [sflag:s8] =	dma.local @!p0 [hbm:s6], $0xF7A  }
0x23: {  	s9 =	sor.u32 $0xD0000000, s2;
	s6 =	simm.s32 $0x108;
	_ =	swait.ge @!p0 [sflag:s8], $0x0  }
0x24: {  	s3 =	sadd.s32 $0x88, s3;
	s6 =	simm.s32 @!p1 $0x1082;
	[sflag:s4] =	ssyncset.s32 $0xFFFFF086  }
0x25: {  	[simem:s6], [sflag:s4] =	dma.local [hbm:s3], $0xF7A  }
0x26: {  	[smem:$0x3F9B] =	sst s1;
	(tag) =	ssettag s2;
	_ =	strace s9  }
0x27: {  	s1 =	sld [smem:$0x3FAB]  }
0x28: {  	s2 =	sld [smem:$0x3FAC]  }
0x29: {  	s4 =	sld [smem:$0x3FAE]  }
0x2a: {  	p0 =	seq.s32 s5, $0x0;
	s5 =	sld [smem:$0x3FAF]  }
0x2b: {  	s6 =	sld [smem:$0x3FB0]  }
0x2c: {  	s7 =	sld [smem:$0x3FB1]  }
0x2d: {  	s3 =	simm.s32 $0x108;
	s8 =	sld [smem:$0x3FB2]  }
0x2e: {  	s3 =	simm.s32 @!p0 $0x1082;
	s9 =	sld [smem:$0x3FB3]  }
0x2f: {  	lr =	sadd.s32 s0, s3;
	s0 =	sld [smem:$0x3FAA]  }
0x30: {  	s3 =	sld [smem:$0x3FAD]  }
0x31: {  	[smem:$0x3FB6] =	sst s10  }
0x32: {  	s10 =	sld [smem:$0x3FB4];
	_ =	sdelay $0x3  }
0x33: {  	p0 =	seq.s32 s10, $0x1;
	s10 =	sld [smem:$0x3FB6];
	_ =	sdelay $0x3  }
0x34: {  	[smem:$0x3FB6] =	sst s10  }
0x35: {  	s10 =	sld [smem:$0x3FB5];
	_ =	sdelay $0x3  }
0x36: {  	p1 =	seq.s32 s10, $0x1;
	s10 =	sld [smem:$0x3FB6];
	_ =	sdelay $0x3  }
0x37: {  	[smem:$0x3FB6] =	sst s10  }
0x38: {  	s10 =	sld [smem:$0x3FB7]  }
0x39: {  	_ = 	snop;
	(pc) =	sbr.ind lr, $3  }
0x3a: {  	_ = 	snop  }
0x3b: {  	_ = 	snop  }
0x3c: {  	p2 =	seq.s32 s10, $0x1;
	s10 =	sld [smem:$0x3FB6]  }
0x3d: {  	_ =	shalt  }
0x3e: {  	_ =	shalt  }
0x3f: {  	_ =	shalt  }
0x40: {  	_ =	shalt  }
0x41: {  	_ =	shalt  }
0x42: {  	_ =	shalt  }
0x43: {  	_ =	shalt  }
0x44: {  	_ =	shalt  }
0x45: {  	_ =	shalt  }
0x46: {  	_ =	shalt  }
0x47: {  	_ =	shalt  }
0x48: {  	_ =	shalt  }
0x49: {  	_ =	shalt  }
0x4a: {  	_ =	shalt  }
0x4b: {  	_ =	shalt  }
0x4c: {  	_ =	shalt  }
0x4d: {  	_ =	shalt  }
0x4e: {  	_ =	shalt  }
0x4f: {  	_ =	shalt  }
0x50: {  	_ =	shalt  }
0x51: {  	_ =	shalt  }
0x52: {  	_ =	shalt  }
0x53: {  	_ =	shalt  }
0x54: {  	_ =	shalt  }
0x55: {  	_ =	shalt  }
0x56: {  	_ =	shalt  }
0x57: {  	_ =	shalt  }
0x58: {  	_ =	shalt  }
0x59: {  	_ =	shalt  }
0x5a: {  	_ =	shalt  }
0x5b: {  	_ =	shalt  }
0x5c: {  	_ =	shalt  }
0x5d: {  	_ =	shalt  }
0x5e: {  	_ =	shalt  }
0x5f: {  	_ =	shalt  }
0x60: {  	_ =	shalt  }
0x61: {  	_ =	shalt  }
0x62: {  	_ =	shalt  }
0x63: {  	_ =	shalt  }
0x64: {  	_ =	shalt  }
0x65: {  	_ =	shalt  }
0x66: {  	_ =	shalt  }
0x67: {  	_ =	shalt  }
0x68: {  	_ =	shalt  }
0x69: {  	_ =	shalt  }
0x6a: {  	_ =	shalt  }
0x6b: {  	_ =	shalt  }
0x6c: {  	_ =	shalt  }
0x6d: {  	_ =	shalt  }
0x6e: {  	_ =	shalt  }
0x6f: {  	_ =	shalt  }
0x70: {  	_ =	shalt  }
0x71: {  	_ =	shalt  }
0x72: {  	_ =	shalt  }
0x73: {  	_ =	shalt  }
0x74: {  	_ =	shalt  }
0x75: {  	_ =	shalt  }
0x76: {  	_ =	shalt  }
0x77: {  	_ =	shalt  }
0x78: {  	_ =	shalt  }
0x79: {  	_ =	shalt  }
0x7a: {  	_ =	shalt  }
0x7b: {  	_ =	shalt  }
0x7c: {  	_ =	shalt  }
0x7d: {  	_ =	shalt  }
0x7e: {  	_ =	shalt  }
0x7f: {  	_ =	shalt  }
0x80: {  	_ =	shalt  }
0x81: {  	_ =	shalt  }
0x82: {  	_ =	shalt  }
0x83: {  	_ =	shalt  }
0x84: {  	_ =	shalt  }
0x85: {  	_ =	shalt  }
0x86: {  	_ =	shalt  }
0x87: {  	_ =	shalt  }
.Lfunc_end0:
.L_simem_size_0:
called_computation_lowered:
.L_overlay_start_0:
0x88: {  	s2 =	sld [smem:$0x3FD9]  }
0x89: {  	s3 =	sld [smem:$0x3FFE];
	_ =	sdelay $0x1  }
0x8a: {  	s1 =	srdreg.scid  }
0x8b: {  	s0 =	sand.u32 $0x1, s1  }
0x8c: {  	s16 =	sshll.u32 s0, $0xA;
	s2 =	sadd.s32 s3, s2  }
0x8d: {  	s2 =	sadd.s32 s2, s16  }
0x8e: {  	[smem:$0x3FC2] =	sst s2  }
0x8f: {  	_ = 	snop  }
0x90: {  	(tm) =	ssettm $0x1  }
0x91: {  	s17 =	sld [smem:$0x3FFB];
	_ =	sdelay $0x3  }
0x92: {  	_ =	strace s17  }
0x93: {  	s2 =	sld [smem:$0x3FFC];
	_ =	sdelay $0x3  }
0x94: {  	_ =	strace s2  }
0x95: {  	s2 =	sld [smem:$0x3FFD];
	_ =	sdelay $0x3  }
0x96: {  	_ =	strace s2  }
0x97: {  	_ =	strace $0x8FFFFFFF  }
0x98: {  	s18 =	sld [smem:$0x3FDB];
	_ =	sdelay $0x1  }
0x99: {  	s19 =	simm.s32 $_scs_section_size  }
0x9a: {  	s4 =	simm.s32 $_size__tile_overlayer_lowered;
	s5 =	simm.s32 $_tile_overlayer_lowered  }
0x9b: {  	s22 =	simm.s32 $0x1BFF;
	s21 =	sshll.u32 s5, $0x1;
	s2 =	sadd.s32 s19, s18  }
0x9c: {  	s6 =	simm.s32 $0x0;
	s20 =	sshll.u32 s4, $0x1;
	s4 =	sadd.s32 s21, s2  }
0x9d: {  	[timem:s6], [sflag:s22] =	dma.local [hbm:s4], s20  }
0x9e: {  	_ =	swait.ge [sflag:s22], s20  }
0x9f: {  	s3 =	ssub.s32 $0x0, s20;
	[sflag:s22] =	ssyncset.done $0x0  }
0xa0: {  	[sflag:s22] =	ssyncadd.s32 s3;
	_ =	sdelay $0x1  }
0xa1: {  	s23 =	simm.s32 $0x1B8B  }
0xa2: {  	_ =	swait.ge [sflag:s23], $0x1  }
0xa3: {  	[sflag:s23] =	ssyncset.done $0x0  }
0xa4: {  	s25 =	simm.s32 $0x1B8E;
	s24 =	sld [smem:$0x3FFE];
	[sflag:s23] =	ssyncadd.s32 $0xFFFFFFFF  }
0xa5: {  	s26 =	simm.s32 $execute0_lowered;
	[smem:$0x3FD2] =	sst s25  }
0xa6: {  	s4 =	sshll.u32 s26, $0x1;
	_ =	strace $0x80000046;
	[dreg:$0x1] =	wrdreg $0xFFFFFFFF  }
0xa7: {  	s28 =	simm.s32 $_size_execute0_lowered;
	s2 =	sadd.s32 s2, s4;
	[dreg:$0x0] =	wrdreg $0x0  }
0xa8: {  	s4 =	sshll.u32 s28, $0x1;
	[dreg:$0x2] =	wrdreg s2  }
0xa9: {  	[dreg:$0x3] =	wrdreg s4  }
0xaa: {  	[dreg:$0x4] =	wrdreg $0xC0  }
0xab: {  	_ =	task [dreg:s6], $0x5FFFF  }
0xac: {  	[dreg:$0x1] =	wrdreg $0xFFFFFFFF  }
0xad: {  	[dreg:$0x0] =	wrdreg $0x60  }
0xae: {  	[dreg:$0x2] =	wrdreg s24  }
0xaf: {  	[dreg:$0x3] =	wrdreg $0x9  }
0xb0: {  	_ =	task.clear_ibuf [dreg:s6], $0x4FFFF;
	_ =	strace $0x90000046  }
0xb1: {  	s29 =	simm.s32 $0x9;
	_ =	strace $0x80000048  }
0xb2: {  	_ =	swait.ge [sflag:s29], $0x1  }
0xb3: {  	[sflag:s29] =	ssyncadd.s32 $0xFFFFFFFF  }
0xb4: {  	_ =	strace $0x90000048  }
0xb5: {  	_ =	sfence  }
0xb6: {  	s30 =	sld [smem:$0x0];
	_ =	sdelay $0x2  }
0xb7: {  	s31 =	sshll.u32 s1, $0xD;
	s1 =	sshrl.u32 s1, $0x2  }
0xb8: {  	s3 =	sand.u32 $0x4000, s31;
	s1 =	sadd.s32 s1, s30  }
0xb9: {  	s0 =	sor.u32 s3, s0;
	s1 =	sshll.u32 s1, $0x11  }
0xba: {  	s0 =	sor.u32 s1, s0  }
0xbb: {  	s0 =	sadd.s32 $0x8F2B, s0  }
0xbc: {  	[sflag:s0] =	ssyncadd.remote.s32 $0x1  }
0xbd: {  	_ =	sfence.sel $0xFFFF  }
0xbe: {  	[dreg:$0x0] =	wrdreg $0xFFFFFFFF;
	(pc) =	sbr.abs _section_cstart, $3  }
0xbf: {  	[dreg:$0x1] =	wrdreg $0xFFFFFFFF  }
0xc0: {  	_ =	task.clear_ibuf [dreg:s6], $0x2FFFF;
	_ =	strace $0x9FFFFFFF  }
0xc1: {  	(tm) =	ssettm $0x7FFFFFFF  }
tec
execute0_lowered:
.L_overlay_start_1:
0x0: {  	(tag) =	ssettag $0x1  }
0x1: {  	s4 =	rddreg [dreg:$0x0]  }
0x2: {  	s0 =	rddreg [dreg:$0x1];
	s3 =	srdreg.scid  }
0x3: {  	s1 =	stileid.u32;
	s2 =	simm.s32 $0x0;
	s9 =	simm.s32 $0x8000  }
0x4: {  	s10 =	simm.s32 $0x80;
	s11 =	simm.s32 $0xB400;
	s12 =	simm.s32 $0x1  }
0x5: {  	s13 =	simm.s32 $0x2;
	s14 =	simm.s32 $0xE800;
	s15 =	simm.s32 $0x0  }
0x6: {  	s3 =	sand.u32 $0x1, s3;
	s5 =	sshll.u32 s1, $0x1;
	[smem:$0x7FF] =	sst s2  }
0x7: {  	s5 =	sor.u32 s3, s5;
	_ =	strace $0x80000047;
	s7 =	ssub.s32 $0x2, s3  }
0x8: {  	s3 =	sadd.s32 $0xF83600, s4;
	s6 =	sshll.u32 s5, $0xC;
	s5 =	sshll.u32 s5, $0xB  }
0x9: {  	s8 =	sshrl.u32 s7, $0x1;
	s6 =	sadd.s32 s6, s4;
	s5 =	sadd.s32 s5, s4  }
0xa: {  	s7 =	ssub.s32 s7, s8;
	s8 =	simm.s32 $0x64;
	s4 =	sadd.s32 $0x21200, s6  }
0xb: {  	s5 =	sadd.s32 $0x1EC5A00, s5;
	s6 =	smax.u32 s7, $0x1;
	s7 =	simm.s32 $0x3  }
.LBB2_1:
0xc: {  	[tilespmem:s2], [sflag:$0x3] =	stream.linear.gather [hbm4b:s4+s2], $0x8000, $0x38;
	[tilespmem:$0x12800] =	vst v63  }
0xd: {  	_ =	swait.ge [sflag:s7], $0x8000  }
0xe: {  	[sflag:s7] =	ssyncset.done $0x0  }
0xf: {  	[sflag:s7] =	ssyncadd.s32 $0xFFFF8000  }
0x10: {  	[tilespmem:s9], [sflag:$0x1] =	stream.indirect.gather [hbm4b:s3+s8], $0x80, s2, s8, $0xb8;
	[tilespmem:$0x12800] =	vst v63  }
0x11: {  	s16 =	simm.s32 $0x0  }
0x12: {  	[tilespmem:s11], [sflag:$0x2] =	stream.indirect.gather [hbm4b:s3+s8], $0x80, s10, s8, $0xb8;
	[tilespmem:$0x12800] =	vst v63  }
.LBB2_2:
0x13: {  	_ =	swait.ge [sflag:s12], $0x3200  }
0x14: {  	[sflag:s12] =	ssyncset.done $0x0  }
0x15: {  	s19 =	simm.s32 $0x0;
	[sflag:s12] =	ssyncadd.s32 $0xFFFFCE00  }
0x16: {  	v0 =	vld [tilespmem:s19+$0x8060]  }
0x17: {  	v7 =	vld [tilespmem:s19+$0x8000]  }
0x18: {  	v3 =	vld [tilespmem:s19+$0x8010]  }
0x19: {  	v4 =	vld [tilespmem:s19+$0x8020]  }
0x1a: {  	v2 =	vimm.f32 $0.0e+00;
	v5 =	vld [tilespmem:s19+$0x8030]  }
0x1b: {  	v9 =	vimm.f32 $0.0e+00;
	v10 =	vimm.f32 $0.0e+00;
	v8 =	vimm.f32 $0.0e+00;
	v6 =	vld [tilespmem:s19+$0x8040]  }
0x1c: {  	s18 =	simm.s32 $0x80;
	s17 =	simm.s32 $0x400;
	v11 =	vld [tilespmem:s19+$0x8050];
	v1 =	vadd.f32 v0, v2;
	v0 =	vadd.f32 v7, v2;
	v7 =	vimm.f32 $0.0e+00  }
.LBB2_3:
0x1d: {  	p0 =	sne.s32 s17, $0xC600;
	v12 =	vld [tilespmem:s18+$0x8060];
	v2 =	vadd.f32 v3, v2  }
0x1e: {  	v13 =	vld [tilespmem:s18+$0x8000];
	v7 =	vadd.f32 v4, v7  }
.Ltmp0:
0x1f: {  	v3 =	vld [tilespmem:s18+$0x8010];
	v9 =	vadd.f32 v5, v9;
	(pc) =	sbr.rel @p0 .LBB2_3-.Ltmp0, $4  }
0x20: {  	v4 =	vld [tilespmem:s18+$0x8020];
	v10 =	vadd.f32 v6, v10  }
0x21: {  	v5 =	vld [tilespmem:s18+$0x8030];
	v8 =	vadd.f32 v11, v8  }
0x22: {  	v6 =	vld [tilespmem:s18+$0x8040];
	v1 =	vadd.f32 v12, v1  }
0x23: {  	v0 =	vadd.f32 v13, v0;
	v11 =	vld [tilespmem:s18+$0x8050];
	s18 =	sshra.s32 s17, $0x2;
	s17 =	sadd.s32 $0x200, s17  }
0x24: {  	v12 =	vld [tilespmem:s18+$0x8060]  }
0x25: {  	v13 =	vld [tilespmem:s18+$0x8000]  }
0x26: {  	v14 =	vld [tilespmem:s18+$0x8010]  }
0x27: {  	v15 =	vld [tilespmem:s18+$0x8020];
	p0 =	seq.s32 s16, $0x7F  }
0x28: {  	v16 =	vld [tilespmem:s18+$0x8030];
	s17 =	sshll.u32 @!p0 s16, $0x8  }
0x29: {  	v17 =	vld [tilespmem:s18+$0x8040];
	s17 =	sand.u32 @!p0 $0x3FFFFF00, s17  }
0x2a: {  	v18 =	vld [tilespmem:s18+$0x8050];
	s19 =	simm.s32 @!p0 $0x64;
	s20 =	simm.s32 @!p0 $0x8000;
	s18 =	sadd.s32 @!p0 $0x100, s17  }
0x2b: {  	[tilespmem:s20], [sflag:$0x1] =	stream.indirect.gather @!p0 [hbm4b:s3+s19], $0x80, s18, s19, $0xb8;
	[tilespmem:$0x12800] =	vst v63  }
0x2c: {  	_ =	swait.ge [sflag:s13], $0x3200  }
0x2d: {  	[sflag:s13] =	ssyncset.done $0x0  }
0x2e: {  	s31 =	simm.s32 $0x0;
	[sflag:s13] =	ssyncadd.s32 $0xFFFFCE00  }
0x2f: {  	v2 =	vadd.f32 v3, v2;
	v3 =	vadd.f32 v4, v7;
	v19 =	vld [tilespmem:s31+$0xB460]  }
0x30: {  	v9 =	vadd.f32 v5, v9;
	v10 =	vadd.f32 v6, v10;
	v20 =	vld [tilespmem:s31+$0xB400]  }
0x31: {  	v11 =	vadd.f32 v11, v8;
	v12 =	vadd.f32 v12, v1;
	v6 =	vld [tilespmem:s31+$0xB410]  }
0x32: {  	v13 =	vadd.f32 v13, v0;
	v4 =	vadd.f32 v14, v2;
	v7 =	vld [tilespmem:s31+$0xB420]  }
0x33: {  	v5 =	vadd.f32 v15, v3;
	v3 =	vadd.f32 v16, v9;
	v8 =	vld [tilespmem:s31+$0xB430]  }
0x34: {  	v2 =	vadd.f32 v17, v10;
	v1 =	vadd.f32 v18, v11;
	v9 =	vld [tilespmem:s31+$0xB440]  }
0x35: {  	s18 =	simm.s32 $0x80;
	s19 =	simm.s32 $0x400;
	v10 =	vld [tilespmem:s31+$0xB450];
	v0 =	vadd.f32 v19, v12;
	v11 =	vadd.f32 v20, v13  }
.LBB2_5:
0x36: {  	p1 =	sne.s32 s19, $0xC600;
	v12 =	vld [tilespmem:s18+$0xB460];
	v4 =	vadd.f32 v6, v4  }
0x37: {  	v13 =	vld [tilespmem:s18+$0xB400];
	v5 =	vadd.f32 v7, v5  }
.Ltmp1:
0x38: {  	v6 =	vld [tilespmem:s18+$0xB410];
	v3 =	vadd.f32 v8, v3;
	(pc) =	sbr.rel @p1 .LBB2_5-.Ltmp1, $4  }
0x39: {  	v7 =	vld [tilespmem:s18+$0xB420];
	v2 =	vadd.f32 v9, v2  }
0x3a: {  	v8 =	vld [tilespmem:s18+$0xB430];
	v1 =	vadd.f32 v10, v1  }
0x3b: {  	v9 =	vld [tilespmem:s18+$0xB440];
	v0 =	vadd.f32 v12, v0  }
0x3c: {  	v11 =	vadd.f32 v13, v11;
	v10 =	vld [tilespmem:s18+$0xB450];
	s18 =	sshra.s32 s19, $0x2;
	s19 =	sadd.s32 $0x200, s19  }
0x3d: {  	v12 =	vld [tilespmem:s18+$0xB460]  }
0x3e: {  	v13 =	vld [tilespmem:s18+$0xB400]  }
0x3f: {  	v14 =	vld [tilespmem:s18+$0xB410]  }
0x40: {  	v15 =	vld [tilespmem:s18+$0xB420]  }
0x41: {  	v16 =	vld [tilespmem:s18+$0xB430]  }
0x42: {  	v17 =	vld [tilespmem:s18+$0xB440];
	s17 =	sadd.s32 @!p0 $0x180, s17  }
0x43: {  	v18 =	vld [tilespmem:s18+$0xB450];
	s18 =	simm.s32 @!p0 $0x64;
	s19 =	simm.s32 @!p0 $0xB400;
	v4 =	vadd.f32 v6, v4;
	s31 =	sshll.u32 s16, $0x7  }
0x44: {  	[tilespmem:s19], [sflag:$0x2] =	stream.indirect.gather @!p0 [hbm4b:s3+s18], $0x80, s17, s18, $0xb8;
	v5 =	vadd.f32 v7, v5;
	v63 =	vadd.f32 v13, v11;
	[tilespmem:$0x12800] =	vst v63  }
0x45: {  	s17 =	sand.u32 $0x3FFFFF80, s31;
	v3 =	vadd.f32 v8, v3;
	v4 =	vadd.f32 v14, v4  }
0x46: {  	s16 =	sadd.s32 $0x1, s16;
	v2 =	vadd.f32 v9, v2;
	v5 =	vadd.f32 v15, v5;
	[tilespmem:s17+$0xE800] =	vst v63  }
0x47: {  	p0 =	sne.s32 s16, $0x80;
	v3 =	vadd.f32 v16, v3;
	[tilespmem:s17+$0xE810] =	vst v4  }
.Ltmp2:
0x48: {  	v1 =	vadd.f32 v10, v1;
	v2 =	vadd.f32 v17, v2;
	[tilespmem:s17+$0xE820] =	vst v5;
	(pc) =	sbr.rel @p0 .LBB2_2-.Ltmp2, $4  }
0x49: {  	v0 =	vadd.f32 v12, v0;
	[tilespmem:s17+$0xE830] =	vst v3  }
0x4a: {  	v1 =	vadd.f32 v18, v1;
	[tilespmem:s17+$0xE840] =	vst v2  }
0x4b: {  	[tilespmem:s17+$0xE860] =	vst v0  }
0x4c: {  	[tilespmem:s17+$0xE850] =	vst v1  }
0x4d: {  	s15 =	sadd.s32 $0x1, s15  }
0x4e: {  	p0 =	sne.s32 s15, s6  }
.Ltmp3:
0x4f: {  	_ = 	snop;
	(pc) =	sbr.rel @p0 .LBB2_1-.Ltmp3, $4  }
0x50: {  	[hbm4b:s5+s2] =	stream.linear.scatter [tilespmem:s14], [sflag:$0x3], $0x4000, $0x38;
	[tilespmem:$0x12800] =	vst v63  }
0x51: {  	_ =	swait.ge [sflag:s7], $0x4000  }
0x52: {  	[sflag:s7] =	ssyncset.done $0x0  }
0x53: {  	[sflag:s7] =	ssyncadd.s32 $0xFFFFC000  }
0x54: {  	_ =	sfence.sel $0x180000  }
0x55: {  	[bflag:$0x0] =	sbarrier.arrive $0xFFFF  }
0x56: {  	p0 =	sne.s32 s1, $0x0;
	_ =	strace $0x90000047  }
0x57: {  	s0 =	sadd.s32 @!p0 $0x100000, s0;
	[bflag:$0x2] =	sbarrier.arrive $0xFFFF  }
0x58: {  	[sflag:s0] =	ssyncadd.tile.s32 @!p0 $0x1;
	_ =	shalt  }
.Lfunc_end2:
_tile_overlayer_lowered:
.L_overlay_start_2:
0x59: {  	(tag) =	ssettag $0x2  }
0x5a: {  	s0 =	rddreg [dreg:$0x0];
	s2 =	stileid.u32  }
0x5b: {  	s1 =	rddreg [dreg:$0x1];
	p0 =	sne.s32 s2, $0x0  }
0x5c: {  	s3 =	rddreg [dreg:$0x2];
	[bflag:$0x3] =	sbarrier.arrive $0xFFFF;
	s2 =	simm.s32 @!p0 $0x1C03  }
0x5d: {  	[timem:s3], [sflag:s2] =	dma.local @!p0 [hbm:s0], s1  }
0x5e: {  	s0 =	simm.s32 @!p0 $0x3  }
0x5f: {  	_ =	swait.ge @!p0 [sflag:s0], s1  }
0x60: {  	s1 =	ssub.s32 @!p0 $0x0, s1;
	[sflag:s0] =	ssyncset.done @!p0 $0x0  }
0x61: {  	[sflag:s0] =	ssyncadd.s32 @!p0 s1  }
0x62: {  	[bflag:$0x3] =	sbarrier.arrive $0xFFFF  }
0x63: {  	_ =	shalt  }

</sc_bundles>
